<compile_context>
chip_gen: v7x
topology: tpu7x:2x2x1
jax: 0.10.2.dev20260603
libtpu: 0.0.44.dev20260713+nightly
codegen_flags: <defaults>
</compile_context>

<pallas_src>
import functools

import jax
import jax.numpy as jnp
from jax import lax
from jax.experimental import pallas as pl
from jax.experimental.pallas import tpu as pltpu
from jax.experimental.pallas import tpu_sc as plsc

_LANES = 16
_VB = 8192


def _proj_body(w_ref, x_ref, o_ref):
    o_ref[...] = lax.dot_general(
        w_ref[...], x_ref[...], (((1,), (1,)), ((), ())),
        preferred_element_type=jnp.float32)


def _project(emb, w8):
    V, D = emb.shape
    return pl.pallas_call(
        _proj_body,
        grid=(pl.cdiv(V, _VB),),
        in_specs=[
            pl.BlockSpec((8, D), lambda i: (0, 0)),
            pl.BlockSpec((_VB, D), lambda i: (i, 0)),
        ],
        out_specs=pl.BlockSpec((8, _VB), lambda i: (0, i)),
        out_shape=jax.ShapeDtypeStruct((8, V), jnp.float32),
    )(w8, emb)


def _sc_gather_sum(q2, idxT):
    V = q2.shape[1]
    H, B = idxT.shape
    nw = 32
    bpw = B // nw
    mesh = plsc.VectorSubcoreMesh(core_axis_name="c", subcore_axis_name="s")

    @functools.partial(
        pl.kernel,
        out_type=jax.ShapeDtypeStruct((B,), jnp.float32),
        mesh=mesh,
        scratch_types=[
            pltpu.VMEM((V,), jnp.float32),
            pltpu.VMEM((H, bpw), jnp.int32),
            pltpu.VMEM((bpw,), jnp.float32),
        ],
        compiler_params=pltpu.CompilerParams(needs_layout_passes=False),
    )
    def k(q_hbm, idx_hbm, out_hbm, q_v, idx_v, acc_v):
        wid = lax.axis_index("s") * 2 + lax.axis_index("c")
        base = wid * bpw
        pltpu.sync_copy(q_hbm.at[0], q_v)
        pltpu.sync_copy(idx_hbm.at[:, pl.ds(base, bpw)], idx_v)
        for g in range(bpw // _LANES):
            def inner(l, acc, g=g):
                iv = idx_v[l, pl.ds(g * _LANES, _LANES)]
                return acc + plsc.load_gather(q_v, [iv])
            accv = lax.fori_loop(0, H, inner, jnp.zeros((_LANES,), jnp.float32))
            acc_v[pl.ds(g * _LANES, _LANES)] = accv
        pltpu.sync_copy(acc_v, out_hbm.at[pl.ds(base, bpw)])

    return k(q2, idxT)


def _finish_body(s_ref, p_ref, o0_ref, o1_ref):
    d = s_ref[...] * p_ref[0] + p_ref[1]
    lse = jnp.maximum(d, 0.0) + jnp.log(1.0 + jnp.exp(-jnp.abs(d)))
    o0_ref[...] = -lse
    o1_ref[...] = d - lse


def _finish(s, params):
    B = s.shape[0]
    return pl.pallas_call(
        _finish_body,
        in_specs=[
            pl.BlockSpec(memory_space=pltpu.VMEM),
            pl.BlockSpec(memory_space=pltpu.SMEM),
        ],
        out_specs=(
            pl.BlockSpec(memory_space=pltpu.VMEM),
            pl.BlockSpec(memory_space=pltpu.VMEM),
        ),
        out_shape=(
            jax.ShapeDtypeStruct((B,), jnp.float32),
            jax.ShapeDtypeStruct((B,), jnp.float32),
        ),
    )(s, params)


def kernel(inputs, emb_table, W, b):
    B, H = inputs.shape
    _, D = emb_table.shape
    idxT = inputs.astype(jnp.int32).T
    wd = (W[1] - W[0]).astype(jnp.float32)
    w8 = jnp.zeros((8, D), jnp.float32).at[0].set(wd)
    q2 = _project(emb_table, w8)
    s = _sc_gather_sum(q2, idxT)
    params = jnp.stack([jnp.float32(1.0 / H),
                        (b[1] - b[0]).astype(jnp.float32)])
    o0, o1 = _finish(s, params)
    return jnp.stack([o0, o1], axis=1)

# --- scband reference (transcript-rebuilt; emitter-appended) ---
"""Pipeline reference for scband-average-embedding-model-23261542875430 (READ-ONLY COPY).

The authoritative reference and input builder live on the scoring server;
editing this copy changes nothing except your own understanding.
"""

import jax, jax.numpy as jnp
import numpy as np

VOCAB = 100000
EMB_DIM = 128
NUM_CAT = 2
BATCH = 4096
HIST = 50

def setup_inputs(seed: int = 0) -> dict:
    key = jax.random.key(seed)
    k1, k2, k3, k4 = jax.random.split(key, 4)
    inputs = jax.random.randint(k1, (BATCH, HIST), 0, VOCAB, dtype=jnp.int64)
    # EmbeddingBag weight: init like torch (normal(0,1))
    emb_table = jax.random.normal(k2, (VOCAB, EMB_DIM), dtype=jnp.float32)
    # Linear params: kaiming-uniform-ish init
    bound = 1.0 / np.sqrt(EMB_DIM)
    W = jax.random.uniform(k3, (NUM_CAT, EMB_DIM), dtype=jnp.float32, minval=-bound, maxval=bound)
    b = jax.random.uniform(k4, (NUM_CAT,), dtype=jnp.float32, minval=-bound, maxval=bound)
    return {"inputs": inputs, "emb_table": emb_table, "W": W, "b": b}

def reference(inputs, emb_table, W, b):
    # torch.nn.EmbeddingBag default mode is 'mean': gather then mean over bag dim
    gathered = jnp.take(emb_table, inputs, axis=0)          # [B, L, D]
    embeddings = jnp.mean(gathered, axis=1)                  # [B, D]
    out = embeddings @ W.T + b                               # [B, C]
    return jax.nn.log_softmax(out, axis=-1)

if __name__ == "__main__":
    import jax
    _d = setup_inputs()
    print(jax.jit(kernel)(*tuple(_d.values())))

</pallas_src>

<mosaic_0001>
#map = affine_map<(d0, d1) -> (0, 0)>
#map1 = affine_map<(d0, d1) -> (0)>
module attributes {stable_mosaic.version = 14 : i64} {
  func.func @k(%arg0: i32, %arg1: i32, %arg2: memref<8x100000xf32, #tpu.memory_space<hbm>>, %arg3: memref<50x4096xi32, #tpu.memory_space<hbm>>, %arg4: memref<4096xf32, #tpu.memory_space<hbm>>, %arg5: memref<100000xf32, #tpu.memory_space<vmem>>, %arg6: memref<50x128xi32, #tpu.memory_space<vmem>>, %arg7: memref<128xf32, #tpu.memory_space<vmem>>) attributes {dimension_semantics = [#tpu.dimension_semantics<core_parallel>, #tpu.dimension_semantics<subcore_parallel>], iteration_bounds = array<i64: 2, 16>, scalar_prefetch = 0 : i64, scratch_operands = 3 : i64, tpu.core_type = #tpu.core_type<sc_vector_subcore>, window_params = [{transform_indices = #map}, {transform_indices = #map}, {transform_indices = #map1}]} {
    %mul3A = arith.constant 2 : i32
    %mul3A_0 = arith.muli %arg1, %mul3A : i32
    %add3A = arith.addi %mul3A_0, %arg0 : i32
    %mul3A_1 = arith.constant 128 : i32
    %mul3A_2 = arith.muli %add3A, %mul3A_1 : i32
    %run_scoped3A = arith.constant 0 : i32
    "tpu.region"() ({
      %run_scoped3A_80 = tpu.sem_alloc : memref<!tpu.dma_semaphore, #tpu.memory_space<semaphore_mem>>
      %dma_start3A = arith.constant 0 : i32
      %dma_start3A_81 = tpu.memref_slice %arg2[%run_scoped3A, %dma_start3A] : memref<8x100000xf32, #tpu.memory_space<hbm>> -> memref<1x100000xf32, #tpu.memory_space<hbm>>
      %dma_start3A_82 = tpu.memref_squeeze %dma_start3A_81 : memref<1x100000xf32, #tpu.memory_space<hbm>> -> memref<100000xf32, #tpu.memory_space<hbm>>
      %dma_start3A_83 = arith.constant 0 : i32
      %dma_start3A_84 = tpu.memref_slice %arg2[%run_scoped3A, %dma_start3A_83] : memref<8x100000xf32, #tpu.memory_space<hbm>> -> memref<1x100000xf32, #tpu.memory_space<hbm>>
      %dma_start3A_85 = tpu.memref_squeeze %dma_start3A_84 : memref<1x100000xf32, #tpu.memory_space<hbm>> -> memref<100000xf32, #tpu.memory_space<hbm>>
      tpu.enqueue_dma source(%dma_start3A_85 : memref<100000xf32, #tpu.memory_space<hbm>>) target(%arg5 : memref<100000xf32, #tpu.memory_space<vmem>>) target_semaphore(%run_scoped3A_80 : memref<!tpu.dma_semaphore, #tpu.memory_space<semaphore_mem>>)
      %dma_wait3A = arith.constant 0 : i32
      %dma_wait3A_86 = tpu.memref_slice %arg2[%run_scoped3A, %dma_wait3A] : memref<8x100000xf32, #tpu.memory_space<hbm>> -> memref<1x100000xf32, #tpu.memory_space<hbm>>
      %dma_wait3A_87 = tpu.memref_squeeze %dma_wait3A_86 : memref<1x100000xf32, #tpu.memory_space<hbm>> -> memref<100000xf32, #tpu.memory_space<hbm>>
      %dma_wait3A_88 = arith.constant 0 : i32
      %dma_wait3A_89 = tpu.memref_slice %arg2[%run_scoped3A, %dma_wait3A_88] : memref<8x100000xf32, #tpu.memory_space<hbm>> -> memref<1x100000xf32, #tpu.memory_space<hbm>>
      %dma_wait3A_90 = tpu.memref_squeeze %dma_wait3A_89 : memref<1x100000xf32, #tpu.memory_space<hbm>> -> memref<100000xf32, #tpu.memory_space<hbm>>
      tpu.wait_dma2 semaphore(%run_scoped3A_80 : memref<!tpu.dma_semaphore, #tpu.memory_space<semaphore_mem>>) src(%dma_wait3A_90 : memref<100000xf32, #tpu.memory_space<hbm>>) dst(%arg5 : memref<100000xf32, #tpu.memory_space<vmem>>)
      tpu.yield
    }) : () -> ()
    "tpu.region"() ({
      %run_scoped3A_80 = tpu.sem_alloc : memref<!tpu.dma_semaphore, #tpu.memory_space<semaphore_mem>>
      %dma_start3A = arith.constant 0 : i32
      %dma_start3A_81 = tpu.memref_slice %arg3[%dma_start3A, %mul3A_2] : memref<50x4096xi32, #tpu.memory_space<hbm>> -> memref<50x128xi32, #tpu.memory_space<hbm>>
      %dma_start3A_82 = arith.constant 0 : i32
      %dma_start3A_83 = tpu.memref_slice %arg3[%dma_start3A_82, %mul3A_2] : memref<50x4096xi32, #tpu.memory_space<hbm>> -> memref<50x128xi32, #tpu.memory_space<hbm>>
      tpu.enqueue_dma source(%dma_start3A_83 : memref<50x128xi32, #tpu.memory_space<hbm>>) target(%arg6 : memref<50x128xi32, #tpu.memory_space<vmem>>) target_semaphore(%run_scoped3A_80 : memref<!tpu.dma_semaphore, #tpu.memory_space<semaphore_mem>>)
      %dma_wait3A = arith.constant 0 : i32
      %dma_wait3A_84 = tpu.memref_slice %arg3[%dma_wait3A, %mul3A_2] : memref<50x4096xi32, #tpu.memory_space<hbm>> -> memref<50x128xi32, #tpu.memory_space<hbm>>
      %dma_wait3A_85 = arith.constant 0 : i32
      %dma_wait3A_86 = tpu.memref_slice %arg3[%dma_wait3A_85, %mul3A_2] : memref<50x4096xi32, #tpu.memory_space<hbm>> -> memref<50x128xi32, #tpu.memory_space<hbm>>
      tpu.wait_dma2 semaphore(%run_scoped3A_80 : memref<!tpu.dma_semaphore, #tpu.memory_space<semaphore_mem>>) src(%dma_wait3A_86 : memref<50x128xi32, #tpu.memory_space<hbm>>) dst(%arg6 : memref<50x128xi32, #tpu.memory_space<vmem>>)
      tpu.yield
    }) : () -> ()
    %broadcast_in_dim3A = arith.constant 0.000000e+00 : f32
    %broadcast_in_dim3A_3 = vector.broadcast %broadcast_in_dim3A : f32 to vector<16xf32>
    %scan3A = arith.constant 0 : i32
    %scan3A_4 = arith.constant 50 : i32
    %scan3A_5 = arith.addi %scan3A, %scan3A_4 : i32
    %scan3A_6 = arith.constant 1 : i32
    %scan3A_7 = scf.for %scan3A_80 = %scan3A to %scan3A_5 step %scan3A_6 iter_args(%scan3A_81 = %broadcast_in_dim3A_3) -> (vector<16xf32>)  : i32 {
      %get3A = arith.index_cast %scan3A_80 : i32 to index
      %get3A_82 = arith.constant 0 : index
      %get3A_83 = tpu.vector_load %arg6[%get3A, %get3A_82] {strides = array<i32>} : memref<50x128xi32, #tpu.memory_space<vmem>>, vector<16xi32>,
      %gather3A = tpu.vector_load_idx %arg5[%get3A_83] : memref<100000xf32, #tpu.memory_space<vmem>>[vector<16xi32>], vector<16xf32>,
      %add3A_84 = arith.addf %scan3A_81, %gather3A : vector<16xf32>
      scf.yield %add3A_84 : vector<16xf32>
    }
    %scan3A_8 = arith.constant 50 : i32
    %swap3A = arith.constant 0 : index
    %swap3A_9 = tpu.vector_load %arg7[%swap3A] {strides = array<i32>} : memref<128xf32, #tpu.memory_space<vmem>>, vector<16xf32>,
    tpu.vector_store %arg7[%swap3A], %scan3A_7 {strides = array<i32>} : memref<128xf32, #tpu.memory_space<vmem>>, vector<16xf32>,
    %broadcast_in_dim3A_10 = arith.constant 0.000000e+00 : f32
    %broadcast_in_dim3A_11 = vector.broadcast %broadcast_in_dim3A_10 : f32 to vector<16xf32>
    %scan3A_12 = arith.constant 0 : i32
    %scan3A_13 = arith.constant 50 : i32
    %scan3A_14 = arith.addi %scan3A_12, %scan3A_13 : i32
    %scan3A_15 = arith.constant 1 : i32
    %scan3A_16 = scf.for %scan3A_80 = %scan3A_12 to %scan3A_14 step %scan3A_15 iter_args(%scan3A_81 = %broadcast_in_dim3A_11) -> (vector<16xf32>)  : i32 {
      %get3A = arith.index_cast %scan3A_80 : i32 to index
      %get3A_82 = arith.constant 16 : index
      %get3A_83 = tpu.vector_load %arg6[%get3A, %get3A_82] {strides = array<i32>} : memref<50x128xi32, #tpu.memory_space<vmem>>, vector<16xi32>,
      %gather3A = tpu.vector_load_idx %arg5[%get3A_83] : memref<100000xf32, #tpu.memory_space<vmem>>[vector<16xi32>], vector<16xf32>,
      %add3A_84 = arith.addf %scan3A_81, %gather3A : vector<16xf32>
      scf.yield %add3A_84 : vector<16xf32>
    }
    %scan3A_17 = arith.constant 50 : i32
    %swap3A_18 = arith.constant 16 : index
    %swap3A_19 = tpu.vector_load %arg7[%swap3A_18] {strides = array<i32>} : memref<128xf32, #tpu.memory_space<vmem>>, vector<16xf32>,
    tpu.vector_store %arg7[%swap3A_18], %scan3A_16 {strides = array<i32>} : memref<128xf32, #tpu.memory_space<vmem>>, vector<16xf32>,
    %broadcast_in_dim3A_20 = arith.constant 0.000000e+00 : f32
    %broadcast_in_dim3A_21 = vector.broadcast %broadcast_in_dim3A_20 : f32 to vector<16xf32>
    %scan3A_22 = arith.constant 0 : i32
    %scan3A_23 = arith.constant 50 : i32
    %scan3A_24 = arith.addi %scan3A_22, %scan3A_23 : i32
    %scan3A_25 = arith.constant 1 : i32
    %scan3A_26 = scf.for %scan3A_80 = %scan3A_22 to %scan3A_24 step %scan3A_25 iter_args(%scan3A_81 = %broadcast_in_dim3A_21) -> (vector<16xf32>)  : i32 {
      %get3A = arith.index_cast %scan3A_80 : i32 to index
      %get3A_82 = arith.constant 32 : index
      %get3A_83 = tpu.vector_load %arg6[%get3A, %get3A_82] {strides = array<i32>} : memref<50x128xi32, #tpu.memory_space<vmem>>, vector<16xi32>,
      %gather3A = tpu.vector_load_idx %arg5[%get3A_83] : memref<100000xf32, #tpu.memory_space<vmem>>[vector<16xi32>], vector<16xf32>,
      %add3A_84 = arith.addf %scan3A_81, %gather3A : vector<16xf32>
      scf.yield %add3A_84 : vector<16xf32>
    }
    %scan3A_27 = arith.constant 50 : i32
    %swap3A_28 = arith.constant 32 : index
    %swap3A_29 = tpu.vector_load %arg7[%swap3A_28] {strides = array<i32>} : memref<128xf32, #tpu.memory_space<vmem>>, vector<16xf32>,
    tpu.vector_store %arg7[%swap3A_28], %scan3A_26 {strides = array<i32>} : memref<128xf32, #tpu.memory_space<vmem>>, vector<16xf32>,
    %broadcast_in_dim3A_30 = arith.constant 0.000000e+00 : f32
    %broadcast_in_dim3A_31 = vector.broadcast %broadcast_in_dim3A_30 : f32 to vector<16xf32>
    %scan3A_32 = arith.constant 0 : i32
    %scan3A_33 = arith.constant 50 : i32
    %scan3A_34 = arith.addi %scan3A_32, %scan3A_33 : i32
    %scan3A_35 = arith.constant 1 : i32
    %scan3A_36 = scf.for %scan3A_80 = %scan3A_32 to %scan3A_34 step %scan3A_35 iter_args(%scan3A_81 = %broadcast_in_dim3A_31) -> (vector<16xf32>)  : i32 {
      %get3A = arith.index_cast %scan3A_80 : i32 to index
      %get3A_82 = arith.constant 48 : index
      %get3A_83 = tpu.vector_load %arg6[%get3A, %get3A_82] {strides = array<i32>} : memref<50x128xi32, #tpu.memory_space<vmem>>, vector<16xi32>,
      %gather3A = tpu.vector_load_idx %arg5[%get3A_83] : memref<100000xf32, #tpu.memory_space<vmem>>[vector<16xi32>], vector<16xf32>,
      %add3A_84 = arith.addf %scan3A_81, %gather3A : vector<16xf32>
      scf.yield %add3A_84 : vector<16xf32>
    }
    %scan3A_37 = arith.constant 50 : i32
    %swap3A_38 = arith.constant 48 : index
    %swap3A_39 = tpu.vector_load %arg7[%swap3A_38] {strides = array<i32>} : memref<128xf32, #tpu.memory_space<vmem>>, vector<16xf32>,
    tpu.vector_store %arg7[%swap3A_38], %scan3A_36 {strides = array<i32>} : memref<128xf32, #tpu.memory_space<vmem>>, vector<16xf32>,
    %broadcast_in_dim3A_40 = arith.constant 0.000000e+00 : f32
    %broadcast_in_dim3A_41 = vector.broadcast %broadcast_in_dim3A_40 : f32 to vector<16xf32>
    %scan3A_42 = arith.constant 0 : i32
    %scan3A_43 = arith.constant 50 : i32
    %scan3A_44 = arith.addi %scan3A_42, %scan3A_43 : i32
    %scan3A_45 = arith.constant 1 : i32
    %scan3A_46 = scf.for %scan3A_80 = %scan3A_42 to %scan3A_44 step %scan3A_45 iter_args(%scan3A_81 = %broadcast_in_dim3A_41) -> (vector<16xf32>)  : i32 {
      %get3A = arith.index_cast %scan3A_80 : i32 to index
      %get3A_82 = arith.constant 64 : index
      %get3A_83 = tpu.vector_load %arg6[%get3A, %get3A_82] {strides = array<i32>} : memref<50x128xi32, #tpu.memory_space<vmem>>, vector<16xi32>,
      %gather3A = tpu.vector_load_idx %arg5[%get3A_83] : memref<100000xf32, #tpu.memory_space<vmem>>[vector<16xi32>], vector<16xf32>,
      %add3A_84 = arith.addf %scan3A_81, %gather3A : vector<16xf32>
      scf.yield %add3A_84 : vector<16xf32>
    }
    %scan3A_47 = arith.constant 50 : i32
    %swap3A_48 = arith.constant 64 : index
    %swap3A_49 = tpu.vector_load %arg7[%swap3A_48] {strides = array<i32>} : memref<128xf32, #tpu.memory_space<vmem>>, vector<16xf32>,
    tpu.vector_store %arg7[%swap3A_48], %scan3A_46 {strides = array<i32>} : memref<128xf32, #tpu.memory_space<vmem>>, vector<16xf32>,
    %broadcast_in_dim3A_50 = arith.constant 0.000000e+00 : f32
    %broadcast_in_dim3A_51 = vector.broadcast %broadcast_in_dim3A_50 : f32 to vector<16xf32>
    %scan3A_52 = arith.constant 0 : i32
    %scan3A_53 = arith.constant 50 : i32
    %scan3A_54 = arith.addi %scan3A_52, %scan3A_53 : i32
    %scan3A_55 = arith.constant 1 : i32
    %scan3A_56 = scf.for %scan3A_80 = %scan3A_52 to %scan3A_54 step %scan3A_55 iter_args(%scan3A_81 = %broadcast_in_dim3A_51) -> (vector<16xf32>)  : i32 {
      %get3A = arith.index_cast %scan3A_80 : i32 to index
      %get3A_82 = arith.constant 80 : index
      %get3A_83 = tpu.vector_load %arg6[%get3A, %get3A_82] {strides = array<i32>} : memref<50x128xi32, #tpu.memory_space<vmem>>, vector<16xi32>,
      %gather3A = tpu.vector_load_idx %arg5[%get3A_83] : memref<100000xf32, #tpu.memory_space<vmem>>[vector<16xi32>], vector<16xf32>,
      %add3A_84 = arith.addf %scan3A_81, %gather3A : vector<16xf32>
      scf.yield %add3A_84 : vector<16xf32>
    }
    %scan3A_57 = arith.constant 50 : i32
    %swap3A_58 = arith.constant 80 : index
    %swap3A_59 = tpu.vector_load %arg7[%swap3A_58] {strides = array<i32>} : memref<128xf32, #tpu.memory_space<vmem>>, vector<16xf32>,
    tpu.vector_store %arg7[%swap3A_58], %scan3A_56 {strides = array<i32>} : memref<128xf32, #tpu.memory_space<vmem>>, vector<16xf32>,
    %broadcast_in_dim3A_60 = arith.constant 0.000000e+00 : f32
    %broadcast_in_dim3A_61 = vector.broadcast %broadcast_in_dim3A_60 : f32 to vector<16xf32>
    %scan3A_62 = arith.constant 0 : i32
    %scan3A_63 = arith.constant 50 : i32
    %scan3A_64 = arith.addi %scan3A_62, %scan3A_63 : i32
    %scan3A_65 = arith.constant 1 : i32
    %scan3A_66 = scf.for %scan3A_80 = %scan3A_62 to %scan3A_64 step %scan3A_65 iter_args(%scan3A_81 = %broadcast_in_dim3A_61) -> (vector<16xf32>)  : i32 {
      %get3A = arith.index_cast %scan3A_80 : i32 to index
      %get3A_82 = arith.constant 96 : index
      %get3A_83 = tpu.vector_load %arg6[%get3A, %get3A_82] {strides = array<i32>} : memref<50x128xi32, #tpu.memory_space<vmem>>, vector<16xi32>,
      %gather3A = tpu.vector_load_idx %arg5[%get3A_83] : memref<100000xf32, #tpu.memory_space<vmem>>[vector<16xi32>], vector<16xf32>,
      %add3A_84 = arith.addf %scan3A_81, %gather3A : vector<16xf32>
      scf.yield %add3A_84 : vector<16xf32>
    }
    %scan3A_67 = arith.constant 50 : i32
    %swap3A_68 = arith.constant 96 : index
    %swap3A_69 = tpu.vector_load %arg7[%swap3A_68] {strides = array<i32>} : memref<128xf32, #tpu.memory_space<vmem>>, vector<16xf32>,
    tpu.vector_store %arg7[%swap3A_68], %scan3A_66 {strides = array<i32>} : memref<128xf32, #tpu.memory_space<vmem>>, vector<16xf32>,
    %broadcast_in_dim3A_70 = arith.constant 0.000000e+00 : f32
    %broadcast_in_dim3A_71 = vector.broadcast %broadcast_in_dim3A_70 : f32 to vector<16xf32>
    %scan3A_72 = arith.constant 0 : i32
    %scan3A_73 = arith.constant 50 : i32
    %scan3A_74 = arith.addi %scan3A_72, %scan3A_73 : i32
    %scan3A_75 = arith.constant 1 : i32
    %scan3A_76 = scf.for %scan3A_80 = %scan3A_72 to %scan3A_74 step %scan3A_75 iter_args(%scan3A_81 = %broadcast_in_dim3A_71) -> (vector<16xf32>)  : i32 {
      %get3A = arith.index_cast %scan3A_80 : i32 to index
      %get3A_82 = arith.constant 112 : index
      %get3A_83 = tpu.vector_load %arg6[%get3A, %get3A_82] {strides = array<i32>} : memref<50x128xi32, #tpu.memory_space<vmem>>, vector<16xi32>,
      %gather3A = tpu.vector_load_idx %arg5[%get3A_83] : memref<100000xf32, #tpu.memory_space<vmem>>[vector<16xi32>], vector<16xf32>,
      %add3A_84 = arith.addf %scan3A_81, %gather3A : vector<16xf32>
      scf.yield %add3A_84 : vector<16xf32>
    }
    %scan3A_77 = arith.constant 50 : i32
    %swap3A_78 = arith.constant 112 : index
    %swap3A_79 = tpu.vector_load %arg7[%swap3A_78] {strides = array<i32>} : memref<128xf32, #tpu.memory_space<vmem>>, vector<16xf32>,
    tpu.vector_store %arg7[%swap3A_78], %scan3A_76 {strides = array<i32>} : memref<128xf32, #tpu.memory_space<vmem>>, vector<16xf32>,
    "tpu.region"() ({
      %run_scoped3A_80 = tpu.sem_alloc : memref<!tpu.dma_semaphore, #tpu.memory_space<semaphore_mem>>
      %dma_start3A = tpu.memref_slice %arg4[%mul3A_2] : memref<4096xf32, #tpu.memory_space<hbm>> -> memref<128xf32, #tpu.memory_space<hbm>>
      %dma_start3A_81 = tpu.memref_slice %arg4[%mul3A_2] : memref<4096xf32, #tpu.memory_space<hbm>> -> memref<128xf32, #tpu.memory_space<hbm>>
      tpu.enqueue_dma source(%arg7 : memref<128xf32, #tpu.memory_space<vmem>>) target(%dma_start3A_81 : memref<128xf32, #tpu.memory_space<hbm>>) target_semaphore(%run_scoped3A_80 : memref<!tpu.dma_semaphore, #tpu.memory_space<semaphore_mem>>)
      %dma_wait3A = tpu.memref_slice %arg4[%mul3A_2] : memref<4096xf32, #tpu.memory_space<hbm>> -> memref<128xf32, #tpu.memory_space<hbm>>
      %dma_wait3A_82 = tpu.memref_slice %arg4[%mul3A_2] : memref<4096xf32, #tpu.memory_space<hbm>> -> memref<128xf32, #tpu.memory_space<hbm>>
      tpu.wait_dma2 semaphore(%run_scoped3A_80 : memref<!tpu.dma_semaphore, #tpu.memory_space<semaphore_mem>>) src(%arg7 : memref<128xf32, #tpu.memory_space<vmem>>) dst(%dma_wait3A_82 : memref<128xf32, #tpu.memory_space<hbm>>)
      tpu.yield
    }) : () -> ()
    return
  }
}

module attributes {stable_mosaic.version = 14 : i64} {
  func.func @_proj_body(%arg0: i32, %arg1: memref<8x128xf32, #tpu.memory_space<vmem>>, %arg2: memref<8192x128xf32, #tpu.memory_space<vmem>>, %arg3: memref<8x8192xf32, #tpu.memory_space<vmem>>) attributes {dimension_semantics = [#tpu.dimension_semantics<arbitrary>], iteration_bounds = array<i64: 13>, scalar_prefetch = 0 : i64, scratch_operands = 0 : i64, tpu.core_type = #tpu.core_type<tc>, window_params = [{pipeline_mode = #tpu.pipeline_mode<synchronous>, transform_indices = @transform_0, window_bounds = array<i64: 8, 128>}, {transform_indices = @transform_1, window_bounds = array<i64: 8192, 128>}, {transform_indices = @transform_2, window_bounds = array<i64: 8, 8192>}]} {
    %get3A = arith.constant 0 : index
    %get3A_0 = arith.constant 0 : index
    %get3A_1 = vector.load %arg1[%get3A, %get3A_0] : memref<8x128xf32, #tpu.memory_space<vmem>>, vector<8x128xf32>
    %get3A_2 = arith.constant 0 : index
    %get3A_3 = arith.constant 0 : index
    %get3A_4 = vector.load %arg2[%get3A_2, %get3A_3] : memref<8192x128xf32, #tpu.memory_space<vmem>>, vector<8192x128xf32>
    %dot_general3A = arith.constant dense<0.000000e+00> : vector<8x8192xf32>
    %dot_general3A_5 = tpu.matmul %get3A_1, %get3A_4, %dot_general3A {dimension_numbers = #tpu.dot_dimension_numbers<[1], [1], [0], [0], [0, 0, 1, 0], [], []>, transpose_lhs_hint = false} : vector<8x128xf32>, vector<8192x128xf32>, vector<8x8192xf32> -> vector<8x8192xf32>
    %swap3A = arith.constant 0 : index
    %swap3A_6 = arith.constant 0 : index
    %swap3A_7 = vector.load %arg3[%swap3A, %swap3A_6] : memref<8x8192xf32, #tpu.memory_space<vmem>>, vector<8x8192xf32>
    tpu.vector_store %arg3[%swap3A, %swap3A_6], %dot_general3A_5 {strides = array<i32>} : memref<8x8192xf32, #tpu.memory_space<vmem>>, vector<8x8192xf32>,
    return
  }
  func.func @transform_0(%arg0: i32) -> (i32, i32) {
    %c0_i32 = arith.constant 0 : i32
    %c0_i32_0 = arith.constant 0 : i32
    %c0_i32_1 = arith.constant 0 : i32
    return %c0_i32, %c0_i32_0 : i32, i32
  }
  func.func @transform_1(%arg0: i32) -> (i32, i32) {
    %c0_i32 = arith.constant 0 : i32
    %c0_i32_0 = arith.constant 0 : i32
    return %arg0, %c0_i32 : i32, i32
  }
  func.func @transform_2(%arg0: i32) -> (i32, i32) {
    %c0_i32 = arith.constant 0 : i32
    %c0_i32_0 = arith.constant 0 : i32
    return %c0_i32, %arg0 : i32, i32
  }
}

module attributes {stable_mosaic.version = 14 : i64} {
  func.func @_finish_body(%arg0: memref<4096xf32, #tpu.memory_space<vmem>>, %arg1: memref<2xf32, #tpu.memory_space<smem>>, %arg2: memref<4096xf32, #tpu.memory_space<vmem>>, %arg3: memref<4096xf32, #tpu.memory_space<vmem>>) attributes {dimension_semantics = [], scalar_prefetch = 0 : i64, scratch_operands = 0 : i64, tpu.core_type = #tpu.core_type<tc>} {
    %get3A = arith.constant 0 : index
    %get3A_0 = vector.load %arg0[%get3A] : memref<4096xf32, #tpu.memory_space<vmem>>, vector<4096xf32>
    %get3A_1 = arith.constant 0 : index
    %get3A_2 = memref.load %arg1[%get3A_1] : memref<2xf32, #tpu.memory_space<smem>>
    %mul3A = vector.broadcast %get3A_2 : f32 to vector<4096xf32>
    %mul3A_3 = arith.mulf %get3A_0, %mul3A : vector<4096xf32>
    %get3A_4 = arith.constant 1 : index
    %get3A_5 = memref.load %arg1[%get3A_4] : memref<2xf32, #tpu.memory_space<smem>>
    %add3A = vector.broadcast %get3A_5 : f32 to vector<4096xf32>
    %add3A_6 = arith.addf %mul3A_3, %add3A : vector<4096xf32>
    %max3A = arith.constant 0.000000e+00 : f32
    %max3A_7 = vector.broadcast %max3A : f32 to vector<4096xf32>
    %max3A_8 = arith.maximumf %add3A_6, %max3A_7 : vector<4096xf32>
    %abs3A = math.absf %add3A_6 : vector<4096xf32>
    %neg3A = arith.constant 0.000000e+00 : f32
    %neg3A_9 = vector.broadcast %neg3A : f32 to vector<4096xf32>
    %neg3A_10 = arith.subf %neg3A_9, %abs3A : vector<4096xf32>
    %exp3A = math.exp %neg3A_10 : vector<4096xf32>
    %add3A_11 = arith.constant 1.000000e+00 : f32
    %add3A_12 = vector.broadcast %add3A_11 : f32 to vector<4096xf32>
    %add3A_13 = arith.addf %add3A_12, %exp3A : vector<4096xf32>
    %log3A = math.log %add3A_13 : vector<4096xf32>
    %add3A_14 = arith.addf %max3A_8, %log3A : vector<4096xf32>
    %neg3A_15 = arith.constant 0.000000e+00 : f32
    %neg3A_16 = vector.broadcast %neg3A_15 : f32 to vector<4096xf32>
    %neg3A_17 = arith.subf %neg3A_16, %add3A_14 : vector<4096xf32>
    %swap3A = arith.constant 0 : index
    %swap3A_18 = vector.load %arg2[%swap3A] : memref<4096xf32, #tpu.memory_space<vmem>>, vector<4096xf32>
    tpu.vector_store %arg2[%swap3A], %neg3A_17 {strides = array<i32>} : memref<4096xf32, #tpu.memory_space<vmem>>, vector<4096xf32>,
    %sub3A = arith.subf %add3A_6, %add3A_14 : vector<4096xf32>
    %swap3A_19 = arith.constant 0 : index
    %swap3A_20 = vector.load %arg3[%swap3A_19] : memref<4096xf32, #tpu.memory_space<vmem>>, vector<4096xf32>
    tpu.vector_store %arg3[%swap3A_19], %sub3A {strides = array<i32>} : memref<4096xf32, #tpu.memory_space<vmem>>, vector<4096xf32>,
    return
  }
}

</mosaic_0001>

<sc_bundles>
// kernel: kernel.5.cloned.1.call-start
scs
__scs_entry_jumppad:
0x0: {  	(pc) =	sbr.rel $0x88, $3  }
0x1: {  	(tag) =	ssettag $0x0;
	lr =	simm.s32 $0x1  }
0x2: {  	[smem:$0x3F9D] =	sst lr;
	_ =	strace $0xD0000000  }
0x3: {  	_ = 	snop  }
0x4: {  	_ = 	snop  }
0x5: {  	_ = 	snop  }
0x6: {  	_ = 	snop  }
0x7: {  	_ = 	snop  }
__scs_overlays_trampoline_lowered:
0x8: {  	[smem:$0x3FAC] =	sst s0  }
0x9: {  	[smem:$0x3FAD] =	sst s1  }
0xa: {  	[smem:$0x3FAE] =	sst s2  }
0xb: {  	[smem:$0x3FAF] =	sst s3  }
0xc: {  	[smem:$0x3FB0] =	sst s4  }
0xd: {  	[smem:$0x3FB1] =	sst s5  }
0xe: {  	[smem:$0x3FB2] =	sst s6  }
0xf: {  	[smem:$0x3FB3] =	sst s7  }
0x10: {  	[smem:$0x3FB4] =	sst s8  }
0x11: {  	[smem:$0x3FB5] =	sst s9;
	s0 =	simm.s32 @!p0 $0x0  }
0x12: {  	s1 =	sld [smem:$0x3F9B];
	s0 =	simm.s32 @p0 $0x1  }
0x13: {  	[smem:$0x3FB6] =	sst s0;
	s0 =	simm.s32 @!p1 $0x0  }
0x14: {  	s2 =	sld [smem:$0x3F9A];
	s0 =	simm.s32 @p1 $0x1  }
0x15: {  	[smem:$0x3FB7] =	sst s0;
	s0 =	simm.s32 @!p2 $0x0  }
0x16: {  	s3 =	sld [smem:$0x3FDB];
	s0 =	simm.s32 @p2 $0x1  }
0x17: {  	s4 =	simm.s32 $0x1BF5;
	[smem:$0x3FB9] =	sst s0  }
0x18: {  	s0 =	sld [smem:$0x3F9C];
	_ =	swait.ge [sflag:s4], $0x0  }
0x19: {  	s7 =	sld [smem:$0x3F9D]  }
0x1a: {  	s8 =	sadd.s32 $0xFFFFE003, lr  }
0x1b: {  	s9 =	sadd.s32 $0xFFFFFEF7, lr;
	s5 =	simm.s32 $0xFFFFFFFF;
	p2 =	slt.u32 s8, $0xFFFFF086  }
0x1c: {  	p1 =	slt.u32 s9, $0xF7A;
	s5 =	simm.s32 @!p2 $0x0  }
0x1d: {  	s5 =	simm.s32 @p1 $0x1;
	p0 =	seq.s32 s7, s2  }
0x1e: {  	s7 =	smul.u32 @!p0 $0xF7A, s2;
	p2 =	seq.s32 @!p0 s5, $0x0  }
0x1f: {  	s9 =	smul.u32 $0xF7A, s1;
	s8 =	simm.s32 @!p0 $0x1BF5;
	p2 =	por !p2, p0  }
0x20: {  	[sflag:s8] =	ssyncset.s32 @!p0 $0xFFFFF086;
	s6 =	sadd.s32 @!p0 s3, s7;
	s7 =	simm.s32 @!p0 $0x108  }
0x21: {  	s3 =	sadd.s32 s3, s9;
	s6 =	sadd.s32 @!p0 $0x88, s6;
	s7 =	simm.s32 @p2 $0x1082  }
0x22: {  	[simem:s7], [sflag:s8] =	dma.local @!p0 [hbm:s6], $0xF7A  }
0x23: {  	s9 =	sor.u32 $0xD0000000, s2;
	s6 =	simm.s32 $0x108;
	_ =	swait.ge @!p0 [sflag:s8], $0x0  }
0x24: {  	s3 =	sadd.s32 $0x88, s3;
	s6 =	simm.s32 @!p1 $0x1082;
	[sflag:s4] =	ssyncset.s32 $0xFFFFF086  }
0x25: {  	[simem:s6], [sflag:s4] =	dma.local [hbm:s3], $0xF7A  }
0x26: {  	[smem:$0x3F9D] =	sst s1;
	(tag) =	ssettag s2;
	_ =	strace s9  }
0x27: {  	s1 =	sld [smem:$0x3FAD]  }
0x28: {  	s2 =	sld [smem:$0x3FAE]  }
0x29: {  	s4 =	sld [smem:$0x3FB0]  }
0x2a: {  	p0 =	seq.s32 s5, $0x0;
	s5 =	sld [smem:$0x3FB1]  }
0x2b: {  	s6 =	sld [smem:$0x3FB2]  }
0x2c: {  	s7 =	sld [smem:$0x3FB3]  }
0x2d: {  	s3 =	simm.s32 $0x108;
	s8 =	sld [smem:$0x3FB4]  }
0x2e: {  	s3 =	simm.s32 @!p0 $0x1082;
	s9 =	sld [smem:$0x3FB5]  }
0x2f: {  	lr =	sadd.s32 s0, s3;
	s0 =	sld [smem:$0x3FAC]  }
0x30: {  	s3 =	sld [smem:$0x3FAF]  }
0x31: {  	[smem:$0x3FB8] =	sst s10  }
0x32: {  	s10 =	sld [smem:$0x3FB6];
	_ =	sdelay $0x3  }
0x33: {  	p0 =	seq.s32 s10, $0x1;
	s10 =	sld [smem:$0x3FB8];
	_ =	sdelay $0x3  }
0x34: {  	[smem:$0x3FB8] =	sst s10  }
0x35: {  	s10 =	sld [smem:$0x3FB7];
	_ =	sdelay $0x3  }
0x36: {  	p1 =	seq.s32 s10, $0x1;
	s10 =	sld [smem:$0x3FB8];
	_ =	sdelay $0x3  }
0x37: {  	[smem:$0x3FB8] =	sst s10  }
0x38: {  	s10 =	sld [smem:$0x3FB9]  }
0x39: {  	_ = 	snop;
	(pc) =	sbr.ind lr, $3  }
0x3a: {  	_ = 	snop  }
0x3b: {  	_ = 	snop  }
0x3c: {  	p2 =	seq.s32 s10, $0x1;
	s10 =	sld [smem:$0x3FB8]  }
0x3d: {  	_ =	shalt  }
0x3e: {  	_ =	shalt  }
0x3f: {  	_ =	shalt  }
0x40: {  	_ =	shalt  }
0x41: {  	_ =	shalt  }
0x42: {  	_ =	shalt  }
0x43: {  	_ =	shalt  }
0x44: {  	_ =	shalt  }
0x45: {  	_ =	shalt  }
0x46: {  	_ =	shalt  }
0x47: {  	_ =	shalt  }
0x48: {  	_ =	shalt  }
0x49: {  	_ =	shalt  }
0x4a: {  	_ =	shalt  }
0x4b: {  	_ =	shalt  }
0x4c: {  	_ =	shalt  }
0x4d: {  	_ =	shalt  }
0x4e: {  	_ =	shalt  }
0x4f: {  	_ =	shalt  }
0x50: {  	_ =	shalt  }
0x51: {  	_ =	shalt  }
0x52: {  	_ =	shalt  }
0x53: {  	_ =	shalt  }
0x54: {  	_ =	shalt  }
0x55: {  	_ =	shalt  }
0x56: {  	_ =	shalt  }
0x57: {  	_ =	shalt  }
0x58: {  	_ =	shalt  }
0x59: {  	_ =	shalt  }
0x5a: {  	_ =	shalt  }
0x5b: {  	_ =	shalt  }
0x5c: {  	_ =	shalt  }
0x5d: {  	_ =	shalt  }
0x5e: {  	_ =	shalt  }
0x5f: {  	_ =	shalt  }
0x60: {  	_ =	shalt  }
0x61: {  	_ =	shalt  }
0x62: {  	_ =	shalt  }
0x63: {  	_ =	shalt  }
0x64: {  	_ =	shalt  }
0x65: {  	_ =	shalt  }
0x66: {  	_ =	shalt  }
0x67: {  	_ =	shalt  }
0x68: {  	_ =	shalt  }
0x69: {  	_ =	shalt  }
0x6a: {  	_ =	shalt  }
0x6b: {  	_ =	shalt  }
0x6c: {  	_ =	shalt  }
0x6d: {  	_ =	shalt  }
0x6e: {  	_ =	shalt  }
0x6f: {  	_ =	shalt  }
0x70: {  	_ =	shalt  }
0x71: {  	_ =	shalt  }
0x72: {  	_ =	shalt  }
0x73: {  	_ =	shalt  }
0x74: {  	_ =	shalt  }
0x75: {  	_ =	shalt  }
0x76: {  	_ =	shalt  }
0x77: {  	_ =	shalt  }
0x78: {  	_ =	shalt  }
0x79: {  	_ =	shalt  }
0x7a: {  	_ =	shalt  }
0x7b: {  	_ =	shalt  }
0x7c: {  	_ =	shalt  }
0x7d: {  	_ =	shalt  }
0x7e: {  	_ =	shalt  }
0x7f: {  	_ =	shalt  }
0x80: {  	_ =	shalt  }
0x81: {  	_ =	shalt  }
0x82: {  	_ =	shalt  }
0x83: {  	_ =	shalt  }
0x84: {  	_ =	shalt  }
0x85: {  	_ =	shalt  }
0x86: {  	_ =	shalt  }
0x87: {  	_ =	shalt  }
.Lfunc_end0:
.L_simem_size_0:
called_computation_lowered:
.L_overlay_start_0:
0x88: {  	s2 =	sld [smem:$0x3FD9]  }
0x89: {  	s3 =	sld [smem:$0x3FFE];
	_ =	sdelay $0x1  }
0x8a: {  	s1 =	srdreg.scid  }
0x8b: {  	s0 =	sand.u32 $0x1, s1  }
0x8c: {  	s17 =	sshll.u32 s0, $0xA;
	s2 =	sadd.s32 s3, s2  }
0x8d: {  	s2 =	sadd.s32 s2, s17  }
0x8e: {  	[smem:$0x3FC4] =	sst s2  }
0x8f: {  	_ = 	snop  }
0x90: {  	s2 =	sld [smem:$0x3FC9]  }
0x91: {  	s18 =	sld [smem:$0x3FD0];
	(tm) =	ssettm $0x1  }
0x92: {  	s4 =	sld [smem:$0x3FFB];
	_ =	sdelay $0x3  }
0x93: {  	_ =	strace s4  }
0x94: {  	s4 =	sld [smem:$0x3FFC];
	_ =	sdelay $0x3  }
0x95: {  	_ =	strace s4  }
0x96: {  	s4 =	sld [smem:$0x3FFD];
	_ =	sdelay $0x3  }
0x97: {  	_ =	strace s4  }
0x98: {  	_ =	strace $0x8FFFFFFF  }
0x99: {  	s19 =	sld [smem:$0x3FDB];
	_ =	sdelay $0x1  }
0x9a: {  	s5 =	simm.s32 $_scs_section_size  }
0x9b: {  	s6 =	simm.s32 $_size__tile_overlayer_lowered;
	s7 =	simm.s32 $_tile_overlayer_lowered  }
0x9c: {  	s22 =	simm.s32 $0x1BFF;
	s21 =	sshll.u32 s7, $0x1;
	s4 =	sadd.s32 s5, s19  }
0x9d: {  	s8 =	simm.s32 $0x0;
	s20 =	sshll.u32 s6, $0x1;
	s6 =	sadd.s32 s21, s4  }
0x9e: {  	[timem:s8], [sflag:s22] =	dma.local [hbm:s6], s20  }
0x9f: {  	_ =	swait.ge [sflag:s22], s20  }
0xa0: {  	s5 =	ssub.s32 $0x0, s20;
	[sflag:s22] =	ssyncset.done $0x0  }
0xa1: {  	[sflag:s22] =	ssyncadd.s32 s5;
	_ =	sdelay $0x1  }
0xa2: {  	s23 =	simm.s32 $0x1B8B  }
0xa3: {  	_ =	swait.ge [sflag:s23], $0x1  }
0xa4: {  	[sflag:s23] =	ssyncset.done $0x0  }
0xa5: {  	s25 =	simm.s32 $0x1B8E;
	s24 =	sld [smem:$0x3FFE];
	[sflag:s23] =	ssyncadd.s32 $0xFFFFFFFF  }
0xa6: {  	s26 =	simm.s32 $execute0_lowered;
	[smem:$0x3FD2] =	sst s25  }
0xa7: {  	s6 =	sshll.u32 s26, $0x1;
	_ =	strace $0x80000046;
	[dreg:$0x1] =	wrdreg $0xFFFFFFFF  }
0xa8: {  	s28 =	simm.s32 $_size_execute0_lowered;
	s4 =	sadd.s32 s4, s6;
	[dreg:$0x0] =	wrdreg $0x0  }
0xa9: {  	s6 =	sshll.u32 s28, $0x1;
	[dreg:$0x2] =	wrdreg s4  }
0xaa: {  	[dreg:$0x3] =	wrdreg s6  }
0xab: {  	[dreg:$0x4] =	wrdreg $0xC0  }
0xac: {  	_ =	task [dreg:s8], $0x5FFFF  }
0xad: {  	[dreg:$0x1] =	wrdreg $0xFFFFFFFF  }
0xae: {  	[dreg:$0x0] =	wrdreg $0x60  }
0xaf: {  	[dreg:$0x2] =	wrdreg s24  }
0xb0: {  	[dreg:$0x3] =	wrdreg s2  }
0xb1: {  	[dreg:$0x4] =	wrdreg s18  }
0xb2: {  	[dreg:$0x5] =	wrdreg $0x9  }
0xb3: {  	_ =	task.clear_ibuf [dreg:s8], $0x6FFFF;
	_ =	strace $0x90000046  }
0xb4: {  	s29 =	simm.s32 $0x9;
	_ =	strace $0x80000048  }
0xb5: {  	_ =	swait.ge [sflag:s29], $0x1  }
0xb6: {  	[sflag:s29] =	ssyncadd.s32 $0xFFFFFFFF  }
0xb7: {  	_ =	strace $0x90000048  }
0xb8: {  	_ =	sfence  }
0xb9: {  	s30 =	sld [smem:$0x0];
	_ =	sdelay $0x2  }
0xba: {  	s31 =	sshll.u32 s1, $0xD;
	s1 =	sshrl.u32 s1, $0x2  }
0xbb: {  	s3 =	sand.u32 $0x4000, s31;
	s1 =	sadd.s32 s1, s30  }
0xbc: {  	s0 =	sor.u32 s3, s0;
	s1 =	sshll.u32 s1, $0x11  }
0xbd: {  	s0 =	sor.u32 s1, s0  }
0xbe: {  	s0 =	sadd.s32 $0x8F2B, s0  }
0xbf: {  	[sflag:s0] =	ssyncadd.remote.s32 $0x1  }
0xc0: {  	_ =	sfence.sel $0xFFFF  }
0xc1: {  	[dreg:$0x0] =	wrdreg $0xFFFFFFFF;
	(pc) =	sbr.abs _section_cstart, $3  }
0xc2: {  	[dreg:$0x1] =	wrdreg $0xFFFFFFFF  }
0xc3: {  	_ =	task.clear_ibuf [dreg:s8], $0x2FFFF;
	_ =	strace $0x9FFFFFFF  }
0xc4: {  	(tm) =	ssettm $0x7FFFFFFF  }
0xc5: {  	_ =	shalt  }
tec
execute0_lowered:
.L_overlay_start_1:
0x0: {  	(tag) =	ssettag $0x1  }
0x1: {  	s3 =	rddreg [dreg:$0x0]  }
0x2: {  	s4 =	rddreg [dreg:$0x1]  }
0x3: {  	s5 =	rddreg [dreg:$0x2]  }
0x4: {  	s0 =	rddreg [dreg:$0x3];
	s2 =	simm.s32 $0x0;
	s6 =	srdreg.scid  }
0x5: {  	s1 =	stileid.u32;
	s10 =	simm.s32 $0x8000;
	s11 =	simm.s32 $0x18700  }
0x6: {  	s13 =	simm.s32 $0x19F00;
	s14 =	simm.s32 $0x1A300;
	s15 =	simm.s32 $0x0  }
0x7: {  	[smem:$0x7FF] =	sst s2;
	s6 =	sand.u32 $0x1, s6;
	s8 =	sshll.u32 s1, $0x1  }
0x8: {  	s3 =	sadd.s32 $0xE00, s3;
	s7 =	ssub.s32 $0x2, s6;
	s6 =	sor.u32 s6, s8  }
0x9: {  	_ =	strace $0x80000047;
	s9 =	sshrl.u32 s7, $0x1;
	s8 =	sshll.u32 s6, $0x7  }
0xa: {  	s6 =	sshll.u32 s6, $0x4;
	s7 =	ssub.s32 s7, s9;
	s4 =	sadd.s32 s4, s8  }
0xb: {  	s5 =	sadd.s32 s5, s6;
	s8 =	simm.s32 $0x400;
	s9 =	simm.s32 $0x1  }
0xc: {  	s6 =	smax.u32 s7, $0x1;
	s7 =	simm.s32 $0x80;
	s12 =	sadd.s32 $0x6000, s4  }
.LBB2_1:
0xd: {  	[tilespmem:s2], [sflag:$0x1] =	stream.strided.gather [hbm4b:s3+s7], $0x18700, s8, s7, $0x38;
	[tilespmem:$0x1A380] =	vst v63  }
0xe: {  	_ =	swait.ge [sflag:s9], $0x18700  }
0xf: {  	[sflag:s9] =	ssyncset.done $0x0  }
0x10: {  	[sflag:s9] =	ssyncadd.s32 $0xFFFE7900  }
0x11: {  	[tilespmem:s11], [sflag:$0x1] =	stream.strided.gather [hbm4b:s4+s8], $0x1800, s10, s8, $0x38;
	[tilespmem:$0x1A380] =	vst v63  }
0x12: {  	_ = 	snop  }
0x13: {  	[tilespmem:s13], [sflag:$0x1] =	stream.linear.gather [hbm4b:s12+s2], $0x100, $0x38;
	[tilespmem:$0x1A380] =	vst v63  }
0x14: {  	_ =	swait.ge [sflag:s9], $0x1900  }
0x15: {  	[sflag:s9] =	ssyncset.done $0x0  }
0x16: {  	s16 =	simm.s32 $0x0;
	[sflag:s9] =	ssyncadd.s32 $0xFFFFE700  }
0x17: {  	v1 =	vld [tilespmem:s16+$0x18700];
	_ =	sdelay $0x7  }
0x18: {  	v0 =	vimm.f32 $0.0e+00;
	s17 =	simm.s32 $0x80;
	s16 =	simm.s32 $0x400;
	v1 =	vld.idx.msk [tilespmem:v1+s2+$0x0], $0xffff  }
.LBB2_2:
0x19: {  	p0 =	sne.s32 s16, $0x6200;
	v2 =	vld [tilespmem:s17+$0x18700];
	_ =	sdelay $0x3  }
.Ltmp0:
0x1a: {  	(pc) =	sbr.rel @p0 .LBB2_2-.Ltmp0, $2  }
0x1b: {  	v0 =	vadd.f32 v1, v0;
	_ =	sdelay $0x2  }
0x1c: {  	s17 =	sshra.s32 s16, $0x2;
	s16 =	sadd.s32 $0x200, s16;
	v1 =	vld.idx.msk [tilespmem:v2+s2+$0x0], $0xffff  }
0x1d: {  	v2 =	vld [tilespmem:s17+$0x18700];
	_ =	sdelay $0x7  }
0x1e: {  	v2 =	vld.idx.msk [tilespmem:v2+s2+$0x0], $0xffff;
	_ =	sdelay $0x2  }
0x1f: {  	v0 =	vadd.f32 v1, v0;
	_ =	sdelay $0x1  }
0x20: {  	v0 =	vadd.f32 v2, v0;
	_ =	sdelay $0x1  }
0x21: {  	s16 =	simm.s32 $0x10;
	[tilespmem:$0x1A300] =	vst v0  }
0x22: {  	v1 =	vld [tilespmem:s16+$0x18700];
	_ =	sdelay $0x7  }
0x23: {  	s17 =	simm.s32 $0x90;
	v0 =	vimm.f32 $0.0e+00;
	s16 =	simm.s32 $0x440;
	v1 =	vld.idx.msk [tilespmem:v1+s2+$0x0], $0xffff  }
.LBB2_4:
0x24: {  	p0 =	sne.s32 s16, $0x6240;
	v2 =	vld [tilespmem:s17+$0x18700];
	_ =	sdelay $0x3  }
.Ltmp1:
0x25: {  	(pc) =	sbr.rel @p0 .LBB2_4-.Ltmp1, $2  }
0x26: {  	v0 =	vadd.f32 v1, v0;
	_ =	sdelay $0x2  }
0x27: {  	s17 =	sshra.s32 s16, $0x2;
	s16 =	sadd.s32 $0x200, s16;
	v1 =	vld.idx.msk [tilespmem:v2+s2+$0x0], $0xffff  }
0x28: {  	v2 =	vld [tilespmem:s17+$0x18700];
	_ =	sdelay $0x7  }
0x29: {  	v2 =	vld.idx.msk [tilespmem:v2+s2+$0x0], $0xffff;
	_ =	sdelay $0x2  }
0x2a: {  	v0 =	vadd.f32 v1, v0;
	_ =	sdelay $0x1  }
0x2b: {  	v0 =	vadd.f32 v2, v0;
	_ =	sdelay $0x1  }
0x2c: {  	s16 =	simm.s32 $0x20;
	[tilespmem:$0x1A310] =	vst v0  }
0x2d: {  	v1 =	vld [tilespmem:s16+$0x18700];
	_ =	sdelay $0x7  }
0x2e: {  	s17 =	simm.s32 $0xA0;
	v0 =	vimm.f32 $0.0e+00;
	s16 =	simm.s32 $0x480;
	v1 =	vld.idx.msk [tilespmem:v1+s2+$0x0], $0xffff  }
.LBB2_6:
0x2f: {  	p0 =	sne.s32 s16, $0x6280;
	v2 =	vld [tilespmem:s17+$0x18700];
	_ =	sdelay $0x3  }
.Ltmp2:
0x30: {  	(pc) =	sbr.rel @p0 .LBB2_6-.Ltmp2, $2  }
0x31: {  	v0 =	vadd.f32 v1, v0;
	_ =	sdelay $0x2  }
0x32: {  	s17 =	sshra.s32 s16, $0x2;
	s16 =	sadd.s32 $0x200, s16;
	v1 =	vld.idx.msk [tilespmem:v2+s2+$0x0], $0xffff  }
0x33: {  	v2 =	vld [tilespmem:s17+$0x18700];
	_ =	sdelay $0x7  }
0x34: {  	v2 =	vld.idx.msk [tilespmem:v2+s2+$0x0], $0xffff;
	_ =	sdelay $0x2  }
0x35: {  	v0 =	vadd.f32 v1, v0;
	_ =	sdelay $0x1  }
0x36: {  	v0 =	vadd.f32 v2, v0;
	_ =	sdelay $0x1  }
0x37: {  	s16 =	simm.s32 $0x30;
	[tilespmem:$0x1A320] =	vst v0  }
0x38: {  	v1 =	vld [tilespmem:s16+$0x18700];
	_ =	sdelay $0x7  }
0x39: {  	s17 =	simm.s32 $0xB0;
	v0 =	vimm.f32 $0.0e+00;
	s16 =	simm.s32 $0x4C0;
	v1 =	vld.idx.msk [tilespmem:v1+s2+$0x0], $0xffff  }
.LBB2_8:
0x3a: {  	p0 =	sne.s32 s16, $0x62C0;
	v2 =	vld [tilespmem:s17+$0x18700];
	_ =	sdelay $0x3  }
.Ltmp3:
0x3b: {  	(pc) =	sbr.rel @p0 .LBB2_8-.Ltmp3, $2  }
0x3c: {  	v0 =	vadd.f32 v1, v0;
	_ =	sdelay $0x2  }
0x3d: {  	s17 =	sshra.s32 s16, $0x2;
	s16 =	sadd.s32 $0x200, s16;
	v1 =	vld.idx.msk [tilespmem:v2+s2+$0x0], $0xffff  }
0x3e: {  	v2 =	vld [tilespmem:s17+$0x18700];
	_ =	sdelay $0x7  }
0x3f: {  	v2 =	vld.idx.msk [tilespmem:v2+s2+$0x0], $0xffff;
	_ =	sdelay $0x2  }
0x40: {  	v0 =	vadd.f32 v1, v0;
	_ =	sdelay $0x1  }
0x41: {  	v0 =	vadd.f32 v2, v0;
	_ =	sdelay $0x1  }
0x42: {  	s16 =	simm.s32 $0x40;
	[tilespmem:$0x1A330] =	vst v0  }
0x43: {  	v1 =	vld [tilespmem:s16+$0x18700];
	_ =	sdelay $0x7  }
0x44: {  	s17 =	simm.s32 $0xC0;
	v0 =	vimm.f32 $0.0e+00;
	s16 =	simm.s32 $0x500;
	v1 =	vld.idx.msk [tilespmem:v1+s2+$0x0], $0xffff  }
.LBB2_10:
0x45: {  	p0 =	sne.s32 s16, $0x6300;
	v2 =	vld [tilespmem:s17+$0x18700];
	_ =	sdelay $0x3  }
.Ltmp4:
0x46: {  	(pc) =	sbr.rel @p0 .LBB2_10-.Ltmp4, $2  }
0x47: {  	v0 =	vadd.f32 v1, v0;
	_ =	sdelay $0x2  }
0x48: {  	s17 =	sshra.s32 s16, $0x2;
	s16 =	sadd.s32 $0x200, s16;
	v1 =	vld.idx.msk [tilespmem:v2+s2+$0x0], $0xffff  }
0x49: {  	v2 =	vld [tilespmem:s17+$0x18700];
	_ =	sdelay $0x7  }
0x4a: {  	v2 =	vld.idx.msk [tilespmem:v2+s2+$0x0], $0xffff;
	_ =	sdelay $0x2  }
0x4b: {  	v0 =	vadd.f32 v1, v0;
	_ =	sdelay $0x1  }
0x4c: {  	v0 =	vadd.f32 v2, v0;
	_ =	sdelay $0x1  }
0x4d: {  	s16 =	simm.s32 $0x50;
	[tilespmem:$0x1A340] =	vst v0  }
0x4e: {  	v1 =	vld [tilespmem:s16+$0x18700];
	_ =	sdelay $0x7  }
0x4f: {  	s17 =	simm.s32 $0xD0;
	v0 =	vimm.f32 $0.0e+00;
	s16 =	simm.s32 $0x540;
	v1 =	vld.idx.msk [tilespmem:v1+s2+$0x0], $0xffff  }
.LBB2_12:
0x50: {  	p0 =	sne.s32 s16, $0x6340;
	v2 =	vld [tilespmem:s17+$0x18700];
	_ =	sdelay $0x3  }
.Ltmp5:
0x51: {  	(pc) =	sbr.rel @p0 .LBB2_12-.Ltmp5, $2  }
0x52: {  	v0 =	vadd.f32 v1, v0;
	_ =	sdelay $0x2  }
0x53: {  	s17 =	sshra.s32 s16, $0x2;
	s16 =	sadd.s32 $0x200, s16;
	v1 =	vld.idx.msk [tilespmem:v2+s2+$0x0], $0xffff  }
0x54: {  	v2 =	vld [tilespmem:s17+$0x18700];
	_ =	sdelay $0x7  }
0x55: {  	v2 =	vld.idx.msk [tilespmem:v2+s2+$0x0], $0xffff;
	_ =	sdelay $0x2  }
0x56: {  	v0 =	vadd.f32 v1, v0;
	_ =	sdelay $0x1  }
0x57: {  	v0 =	vadd.f32 v2, v0;
	_ =	sdelay $0x1  }
0x58: {  	s16 =	simm.s32 $0x60;
	[tilespmem:$0x1A350] =	vst v0  }
0x59: {  	v1 =	vld [tilespmem:s16+$0x18700];
	_ =	sdelay $0x7  }
0x5a: {  	s17 =	simm.s32 $0xE0;
	v0 =	vimm.f32 $0.0e+00;
	s16 =	simm.s32 $0x580;
	v1 =	vld.idx.msk [tilespmem:v1+s2+$0x0], $0xffff  }
.LBB2_14:
0x5b: {  	p0 =	sne.s32 s16, $0x6380;
	v2 =	vld [tilespmem:s17+$0x18700];
	_ =	sdelay $0x3  }
.Ltmp6:
0x5c: {  	(pc) =	sbr.rel @p0 .LBB2_14-.Ltmp6, $2  }
0x5d: {  	v0 =	vadd.f32 v1, v0;
	_ =	sdelay $0x2  }
0x5e: {  	s17 =	sshra.s32 s16, $0x2;
	s16 =	sadd.s32 $0x200, s16;
	v1 =	vld.idx.msk [tilespmem:v2+s2+$0x0], $0xffff  }
0x5f: {  	v2 =	vld [tilespmem:s17+$0x18700];
	_ =	sdelay $0x7  }
0x60: {  	v2 =	vld.idx.msk [tilespmem:v2+s2+$0x0], $0xffff;
	_ =	sdelay $0x2  }
0x61: {  	v0 =	vadd.f32 v1, v0;
	_ =	sdelay $0x1  }
0x62: {  	v0 =	vadd.f32 v2, v0;
	_ =	sdelay $0x1  }
0x63: {  	s16 =	simm.s32 $0x70;
	[tilespmem:$0x1A360] =	vst v0  }
0x64: {  	v1 =	vld [tilespmem:s16+$0x18700];
	_ =	sdelay $0x7  }
0x65: {  	s17 =	simm.s32 $0xF0;
	v0 =	vimm.f32 $0.0e+00;
	s16 =	simm.s32 $0x5C0;
	v1 =	vld.idx.msk [tilespmem:v1+s2+$0x0], $0xffff  }
.LBB2_16:
0x66: {  	p0 =	sne.s32 s16, $0x63C0;
	v2 =	vld [tilespmem:s17+$0x18700];
	_ =	sdelay $0x3  }
.Ltmp7:
0x67: {  	(pc) =	sbr.rel @p0 .LBB2_16-.Ltmp7, $2  }
0x68: {  	v0 =	vadd.f32 v1, v0;
	_ =	sdelay $0x2  }
0x69: {  	s17 =	sshra.s32 s16, $0x2;
	s16 =	sadd.s32 $0x200, s16;
	v1 =	vld.idx.msk [tilespmem:v2+s2+$0x0], $0xffff  }
0x6a: {  	v2 =	vld [tilespmem:s17+$0x18700];
	_ =	sdelay $0x7  }
0x6b: {  	v2 =	vld.idx.msk [tilespmem:v2+s2+$0x0], $0xffff;
	_ =	sdelay $0x2  }
0x6c: {  	v0 =	vadd.f32 v1, v0;
	_ =	sdelay $0x1  }
0x6d: {  	s15 =	sadd.s32 $0x1, s15;
	v0 =	vadd.f32 v2, v0  }
0x6e: {  	p0 =	sne.s32 s15, s6  }
.Ltmp8:
0x6f: {  	[tilespmem:$0x1A370] =	vst v0;
	(pc) =	sbr.rel @p0 .LBB2_1-.Ltmp8, $4  }
0x70: {  	[hbm4b:s5+s2] =	stream.linear.scatter [tilespmem:s14], [sflag:$0x1], $0x80, $0x38;
	[tilespmem:$0x1A380] =	vst v63  }
0x71: {  	_ =	swait.ge [sflag:s9], $0x80  }
0x72: {  	[sflag:s9] =	ssyncset.done $0x0  }
0x73: {  	[sflag:s9] =	ssyncadd.s32 $0xFFFFFF80  }
0x74: {  	_ =	sfence.sel $0x180000  }
0x75: {  	[bflag:$0x0] =	sbarrier.arrive $0xFFFF  }
0x76: {  	p0 =	sne.s32 s1, $0x0;
	_ =	strace $0x90000047  }
0x77: {  	s0 =	sadd.s32 @!p0 $0x100000, s0;
	[bflag:$0x2] =	sbarrier.arrive $0xFFFF  }
0x78: {  	[sflag:s0] =	ssyncadd.tile.s32 @!p0 $0x1;
	_ =	shalt  }
.Lfunc_end2:
_tile_overlayer_lowered:
.L_overlay_start_2:
0x79: {  	(tag) =	ssettag $0x2  }
0x7a: {  	s0 =	rddreg [dreg:$0x0];
	s2 =	stileid.u32  }
0x7b: {  	s1 =	rddreg [dreg:$0x1];
	p0 =	sne.s32 s2, $0x0  }
0x7c: {  	s3 =	rddreg [dreg:$0x2];
	[bflag:$0x3] =	sbarrier.arrive $0xFFFF;
	s2 =	simm.s32 @!p0 $0x1C01  }
0x7d: {  	[timem:s3], [sflag:s2] =	dma.local @!p0 [hbm:s0], s1  }
0x7e: {  	s0 =	simm.s32 @!p0 $0x1  }
0x7f: {  	_ =	swait.ge @!p0 [sflag:s0], s1  }
0x80: {  	s1 =	ssub.s32 @!p0 $0x0, s1;
	[sflag:s0] =	ssyncset.done @!p0 $0x0  }
0x81: {  	[sflag:s0] =	ssyncadd.s32 @!p0 s1  }
0x82: {  	[bflag:$0x3] =	sbarrier.arrive $0xFFFF  }
0x83: {  	_ =	shalt  }

</sc_bundles>
